<compile_context>
chip_gen: v7x
topology: tpu7x:2x2x1
jax: 0.10.2.dev20260603
libtpu: 0.0.44.dev20260713+nightly
codegen_flags: <defaults>
</compile_context>

<pallas_src>
import jax
import jax.numpy as jnp
from jax.experimental import pallas as pl
from jax.experimental.pallas import tpu as pltpu

_F = 256
_E = 64
_H = 512
_C = 1000
_HW = 56 * 56


def _pool_router_body(h_ref, rw_ref, rb_ref, feat_ref, logits_ref):
    h = h_ref[0]
    f = jnp.sum(h, axis=0, keepdims=True) * (1.0 / _HW)
    feat_ref[0] = f
    logits = jax.lax.dot_general(
        f, rw_ref[...], (((1,), (1,)), ((), ())),
        preferred_element_type=jnp.float32) + rb_ref[...]
    logits_ref[0] = logits


def _route_body(logits_ref, sel_ref, gates_ref, ent_ref, lb_ref):
    logits = logits_ref[...]
    col = jax.lax.broadcasted_iota(jnp.int32, logits.shape, 1)
    v1 = jnp.max(logits, axis=1, keepdims=True)
    i1 = jnp.min(jnp.where(logits == v1, col, _E), axis=1, keepdims=True)
    masked = jnp.where(col == i1, -jnp.inf, logits)
    v2 = jnp.max(masked, axis=1, keepdims=True)
    i2 = jnp.min(jnp.where(masked == v2, col, _E), axis=1, keepdims=True)
    sel_ref[...] = jnp.concatenate([i1, i2], axis=1)
    e2 = jnp.exp(v2 - v1)
    g1 = 1.0 / (1.0 + e2)
    gates_ref[...] = jnp.concatenate([g1, e2 * g1], axis=1)
    ex = jnp.exp(logits - v1)
    probs = ex / jnp.sum(ex, axis=1, keepdims=True)
    plogp = probs * jnp.log(jnp.clip(probs, 1e-8, None))
    rowsum = jnp.sum(plogp, axis=1, keepdims=True)
    ent_ref[...] = -jnp.sum(rowsum, axis=0, keepdims=True) / logits.shape[0]
    imp = jnp.mean(probs, axis=0, keepdims=True)
    lb_ref[...] = jnp.sum((imp - 1.0 / _E) ** 2, axis=1, keepdims=True) / _E


def _moe_body(sel_ref, gflat_ref, feat_ref, w1_ref, b1_ref, w2_ref, b2_ref,
              out_ref):
    i = pl.program_id(0)
    f = feat_ref[0]
    hid = jax.lax.dot_general(
        f, w1_ref[0], (((1,), (1,)), ((), ())),
        preferred_element_type=jnp.float32) + b1_ref[0]
    hid = jnp.maximum(hid, 0.0)
    e = jax.lax.dot_general(
        hid, w2_ref[0], (((1,), (1,)), ((), ())),
        preferred_element_type=jnp.float32) + b2_ref[0]
    contrib = e * gflat_ref[i]

    @pl.when(i % 2 == 0)
    def _():
        out_ref[0] = contrib

    @pl.when(i % 2 == 1)
    def _():
        out_ref[0] += contrib


def _head_body(mixed_ref, hw_ref, hb_ref, out_ref):
    out_ref[...] = jax.lax.dot_general(
        mixed_ref[...], hw_ref[...], (((1,), (1,)), ((), ())),
        preferred_element_type=jnp.float32) + hb_ref[...]


def _fold_bn(w, b, g, beta, m, v):
    inv = g * jax.lax.rsqrt(v + 1e-5)
    return w * inv[:, None, None, None], (b - m) * inv + beta


def kernel(x, conv1_w, conv1_b, bn1_g, bn1_b, bn1_m, bn1_v, conv2_w, conv2_b,
           bn2_g, bn2_b, bn2_m, bn2_v, conv3_w, conv3_b, bn3_g, bn3_b, bn3_m,
           bn3_v, router_w, router_b, exp_w1, exp_b1, exp_w2, exp_b2, head_w,
           head_b):
    n = x.shape[0]

    w1f, b1f = _fold_bn(conv1_w, conv1_b, bn1_g, bn1_b, bn1_m, bn1_v)
    w2f, b2f = _fold_bn(conv2_w, conv2_b, bn2_g, bn2_b, bn2_m, bn2_v)
    w3f, b3f = _fold_bn(conv3_w, conv3_b, bn3_g, bn3_b, bn3_m, bn3_v)

    h = jax.lax.conv_general_dilated(
        x, w1f, (1, 1), ((1, 1), (1, 1)),
        dimension_numbers=('NCHW', 'OIHW', 'NHWC'))
    h = jnp.maximum(h + b1f[None, None, None, :], 0.0)
    h = jax.lax.conv_general_dilated(
        h, w2f, (2, 2), ((1, 1), (1, 1)),
        dimension_numbers=('NHWC', 'OIHW', 'NHWC'))
    h = jnp.maximum(h + b2f[None, None, None, :], 0.0)
    h = jax.lax.conv_general_dilated(
        h, w3f, (2, 2), ((1, 1), (1, 1)),
        dimension_numbers=('NHWC', 'OIHW', 'NHWC'))
    h = jnp.maximum(h + b3f[None, None, None, :], 0.0)
    h = h.reshape(n, _HW, _F)

    feat3, logits3 = pl.pallas_call(
        _pool_router_body,
        grid=(n,),
        in_specs=[
            pl.BlockSpec((1, _HW, _F), lambda i: (i, 0, 0)),
            pl.BlockSpec((_E, _F), lambda i: (0, 0)),
            pl.BlockSpec((1, _E), lambda i: (0, 0)),
        ],
        out_specs=[
            pl.BlockSpec((1, 1, _F), lambda i: (i, 0, 0)),
            pl.BlockSpec((1, 1, _E), lambda i: (i, 0, 0)),
        ],
        out_shape=[
            jax.ShapeDtypeStruct((n, 1, _F), jnp.float32),
            jax.ShapeDtypeStruct((n, 1, _E), jnp.float32),
        ],
    )(h, router_w, router_b.reshape(1, _E))

    logits = logits3.reshape(n, _E)
    sel, gates, ent, lb = pl.pallas_call(
        _route_body,
        out_shape=[
            jax.ShapeDtypeStruct((n, 2), jnp.int32),
            jax.ShapeDtypeStruct((n, 2), jnp.float32),
            jax.ShapeDtypeStruct((1, 1), jnp.float32),
            jax.ShapeDtypeStruct((1, 1), jnp.float32),
        ],
    )(logits)

    sel_flat = sel.reshape(2 * n)
    gates_flat = gates.reshape(2 * n)

    grid_spec = pltpu.PrefetchScalarGridSpec(
        num_scalar_prefetch=2,
        grid=(2 * n,),
        in_specs=[
            pl.BlockSpec((1, 1, _F), lambda i, s, g: (i // 2, 0, 0)),
            pl.BlockSpec((1, _H, _F), lambda i, s, g: (s[i], 0, 0)),
            pl.BlockSpec((1, 1, _H), lambda i, s, g: (s[i], 0, 0)),
            pl.BlockSpec((1, _F, _H), lambda i, s, g: (s[i], 0, 0)),
            pl.BlockSpec((1, 1, _F), lambda i, s, g: (s[i], 0, 0)),
        ],
        out_specs=pl.BlockSpec((1, 1, _F), lambda i, s, g: (i // 2, 0, 0)),
    )
    mixed3 = pl.pallas_call(
        _moe_body,
        grid_spec=grid_spec,
        out_shape=jax.ShapeDtypeStruct((n, 1, _F), jnp.float32),
    )(sel_flat, gates_flat, feat3, exp_w1, exp_b1.reshape(_E, 1, _H),
      exp_w2, exp_b2.reshape(_E, 1, _F))

    out = pl.pallas_call(
        _head_body,
        out_shape=jax.ShapeDtypeStruct((n, _C), jnp.float32),
    )(mixed3.reshape(n, _F), head_w, head_b.reshape(1, _C))

    return (out, ent.reshape(()), lb.reshape(()))

# --- scband reference (transcript-rebuilt; emitter-appended) ---
"""Pipeline reference for scband-lite-cnnmo-eclassifier-42700564857411 (READ-ONLY COPY).

The authoritative reference and input builder live on the scoring server;
editing this copy changes nothing except your own understanding.
"""

import jax, jax.numpy as jnp
import numpy as np

FEATURE_DIM = 256
NUM_EXPERTS = 64
TOP_K = 2
HIDDEN_DIM = 512
NUM_CLASSES = 1000


def _conv(x, w, b, stride):
    y = jax.lax.conv_general_dilated(x, w, (stride, stride), ((1, 1), (1, 1)), dimension_numbers=('NCHW', 'OIHW', 'NCHW'))
    return y + b[None, :, None, None]


def _bn(x, g, b, m, v):
    inv = jax.lax.rsqrt(v + 1e-5)
    return (x - m[None, :, None, None]) * (g * inv)[None, :, None, None] + b[None, :, None, None]


def setup_inputs(seed: int = 0):
    key = jax.random.key(seed)
    ks = [jax.random.fold_in(key, i) for i in range(16)]
    d = {}
    d['x'] = jax.random.normal(ks[0], (16, 3, 224, 224), dtype=jnp.float32)
    d['conv1_w'] = jax.random.normal(ks[1], (64, 3, 3, 3), dtype=jnp.float32) * 0.1
    d['conv1_b'] = jnp.zeros((64,), dtype=jnp.float32)
    d['bn1_g'] = jnp.ones((64,), dtype=jnp.float32)
    d['bn1_b'] = jnp.zeros((64,), dtype=jnp.float32)
    d['bn1_m'] = jax.random.normal(ks[2], (64,), dtype=jnp.float32) * 0.1
    d['bn1_v'] = jax.random.uniform(ks[3], (64,), minval=0.5, maxval=1.5, dtype=jnp.float32)
    d['conv2_w'] = jax.random.normal(ks[4], (128, 64, 3, 3), dtype=jnp.float32) * 0.05
    d['conv2_b'] = jnp.zeros((128,), dtype=jnp.float32)
    d['bn2_g'] = jnp.ones((128,), dtype=jnp.float32)
    d['bn2_b'] = jnp.zeros((128,), dtype=jnp.float32)
    d['bn2_m'] = jax.random.normal(ks[5], (128,), dtype=jnp.float32) * 0.1
    d['bn2_v'] = jax.random.uniform(ks[6], (128,), minval=0.5, maxval=1.5, dtype=jnp.float32)
    d['conv3_w'] = jax.random.normal(ks[7], (256, 128, 3, 3), dtype=jnp.float32) * 0.05
    d['conv3_b'] = jnp.zeros((256,), dtype=jnp.float32)
    d['bn3_g'] = jnp.ones((256,), dtype=jnp.float32)
    d['bn3_b'] = jnp.zeros((256,), dtype=jnp.float32)
    d['bn3_m'] = jax.random.normal(ks[8], (256,), dtype=jnp.float32) * 0.1
    d['bn3_v'] = jax.random.uniform(ks[9], (256,), minval=0.5, maxval=1.5, dtype=jnp.float32)
    d['router_w'] = jax.random.normal(ks[10], (NUM_EXPERTS, FEATURE_DIM), dtype=jnp.float32) * 0.05
    d['router_b'] = jnp.zeros((NUM_EXPERTS,), dtype=jnp.float32)
    d['exp_w1'] = jax.random.normal(ks[11], (NUM_EXPERTS, HIDDEN_DIM, FEATURE_DIM), dtype=jnp.float32) * 0.05
    d['exp_b1'] = jnp.zeros((NUM_EXPERTS, HIDDEN_DIM), dtype=jnp.float32)
    d['exp_w2'] = jax.random.normal(ks[12], (NUM_EXPERTS, FEATURE_DIM, HIDDEN_DIM), dtype=jnp.float32) * 0.05
    d['exp_b2'] = jnp.zeros((NUM_EXPERTS, FEATURE_DIM), dtype=jnp.float32)
    d['head_w'] = jax.random.normal(ks[13], (NUM_CLASSES, FEATURE_DIM), dtype=jnp.float32) * 0.05
    d['head_b'] = jnp.zeros((NUM_CLASSES,), dtype=jnp.float32)
    return d


def reference(x, conv1_w, conv1_b, bn1_g, bn1_b, bn1_m, bn1_v, conv2_w, conv2_b, bn2_g, bn2_b, bn2_m, bn2_v, conv3_w, conv3_b, bn3_g, bn3_b, bn3_m, bn3_v, router_w, router_b, exp_w1, exp_b1, exp_w2, exp_b2, head_w, head_b):
    h = jax.nn.relu(_bn(_conv(x, conv1_w, conv1_b, 1), bn1_g, bn1_b, bn1_m, bn1_v))
    h = jax.nn.relu(_bn(_conv(h, conv2_w, conv2_b, 2), bn2_g, bn2_b, bn2_m, bn2_v))
    h = jax.nn.relu(_bn(_conv(h, conv3_w, conv3_b, 2), bn3_g, bn3_b, bn3_m, bn3_v))
    feat = jnp.mean(h, axis=(2, 3))
    logits = feat @ router_w.T + router_b
    _, sel = jax.lax.top_k(logits, TOP_K)
    sel_logits = jnp.take_along_axis(logits, sel, axis=1)
    gates = jax.nn.softmax(sel_logits, axis=1)
    w1 = exp_w1[sel]
    b1 = exp_b1[sel]
    w2 = exp_w2[sel]
    b2 = exp_b2[sel]
    hid = jax.nn.relu(jnp.einsum('bkhd,bd->bkh', w1, feat) + b1)
    eout = jnp.einsum('bkdh,bkh->bkd', w2, hid) + b2
    mixed = jnp.sum(eout * gates[..., None], axis=1)
    probs = jax.nn.softmax(logits, axis=1)
    router_entropy = -jnp.mean(jnp.sum(probs * jnp.log(jnp.clip(probs, 1e-8, None)), axis=1))
    importance = jnp.mean(probs, axis=0)
    load_balance_loss = jnp.mean((importance - 1.0 / NUM_EXPERTS) ** 2)
    out = mixed @ head_w.T + head_b
    return (out, router_entropy, load_balance_loss)

if __name__ == "__main__":
    import jax
    _d = setup_inputs()
    print(jax.jit(kernel)(*tuple(_d.values())))

</pallas_src>

<mosaic_0001>
module attributes {stable_mosaic.version = 14 : i64} {
  func.func @_pool_router_body(%arg0: i32, %arg1: memref<1x3136x256xf32, #tpu.memory_space<vmem>>, %arg2: memref<64x256xf32, #tpu.memory_space<vmem>>, %arg3: memref<1x64xf32, #tpu.memory_space<vmem>>, %arg4: memref<1x1x256xf32, #tpu.memory_space<vmem>>, %arg5: memref<1x1x64xf32, #tpu.memory_space<vmem>>) attributes {dimension_semantics = [#tpu.dimension_semantics<arbitrary>], iteration_bounds = array<i64: 16>, scalar_prefetch = 0 : i64, scratch_operands = 0 : i64, tpu.core_type = #tpu.core_type<tc>, window_params = [{transform_indices = @transform_0, window_bounds = array<i64: 1, 3136, 256>}, {pipeline_mode = #tpu.pipeline_mode<synchronous>, transform_indices = @transform_1, window_bounds = array<i64: 64, 256>}, {pipeline_mode = #tpu.pipeline_mode<synchronous>, transform_indices = @transform_2, window_bounds = array<i64: 1, 64>}, {transform_indices = @transform_3, window_bounds = array<i64: 1, 1, 256>}, {transform_indices = @transform_4, window_bounds = array<i64: 1, 1, 64>}]} {
    %get3A = arith.constant 0 : index
    %get3A_0 = arith.constant 0 : index
    %get3A_1 = arith.constant 0 : index
    %get3A_2 = vector.load %arg1[%get3A, %get3A_0, %get3A_1] : memref<1x3136x256xf32, #tpu.memory_space<vmem>>, vector<1x3136x256xf32>
    %get3A_3 = vector.shape_cast %get3A_2 : vector<1x3136x256xf32> to vector<3136x256xf32>
    %reduce_sum3A = arith.constant dense<0.000000e+00> : vector<256xf32>
    %reduce_sum3A_4 = vector.multi_reduction <add>, %get3A_3, %reduce_sum3A [0] : vector<3136x256xf32> to vector<256xf32>
    %broadcast_in_dim3A = vector.shape_cast %reduce_sum3A_4 : vector<256xf32> to vector<1x256xf32>
    %mul3A = arith.constant 3.18877544E-4 : f32
    %mul3A_5 = vector.broadcast %mul3A : f32 to vector<1x256xf32>
    %mul3A_6 = arith.mulf %broadcast_in_dim3A, %mul3A_5 : vector<1x256xf32>
    %swap3A = arith.constant 0 : index
    %swap3A_7 = arith.constant 0 : index
    %swap3A_8 = arith.constant 0 : index
    %swap3A_9 = vector.load %arg4[%swap3A, %swap3A_7, %swap3A_8] : memref<1x1x256xf32, #tpu.memory_space<vmem>>, vector<1x1x256xf32>
    %swap3A_10 = vector.shape_cast %swap3A_9 : vector<1x1x256xf32> to vector<1x256xf32>
    %swap3A_11 = vector.shape_cast %mul3A_6 : vector<1x256xf32> to vector<1x1x256xf32>
    tpu.vector_store %arg4[%swap3A, %swap3A_7, %swap3A_8], %swap3A_11 {strides = array<i32>} : memref<1x1x256xf32, #tpu.memory_space<vmem>>, vector<1x1x256xf32>,
    %get3A_12 = arith.constant 0 : index
    %get3A_13 = arith.constant 0 : index
    %get3A_14 = vector.load %arg2[%get3A_12, %get3A_13] : memref<64x256xf32, #tpu.memory_space<vmem>>, vector<64x256xf32>
    %dot_general3A = arith.constant dense<0.000000e+00> : vector<1x64xf32>
    %dot_general3A_15 = tpu.matmul %mul3A_6, %get3A_14, %dot_general3A {dimension_numbers = #tpu.dot_dimension_numbers<[1], [1], [0], [0], [0, 0, 1, 0], [], []>, transpose_lhs_hint = false} : vector<1x256xf32>, vector<64x256xf32>, vector<1x64xf32> -> vector<1x64xf32>
    %get3A_16 = arith.constant 0 : index
    %get3A_17 = arith.constant 0 : index
    %get3A_18 = vector.load %arg3[%get3A_16, %get3A_17] : memref<1x64xf32, #tpu.memory_space<vmem>>, vector<1x64xf32>
    %add3A = arith.addf %dot_general3A_15, %get3A_18 : vector<1x64xf32>
    %swap3A_19 = arith.constant 0 : index
    %swap3A_20 = arith.constant 0 : index
    %swap3A_21 = arith.constant 0 : index
    %swap3A_22 = vector.load %arg5[%swap3A_19, %swap3A_20, %swap3A_21] : memref<1x1x64xf32, #tpu.memory_space<vmem>>, vector<1x1x64xf32>
    %swap3A_23 = vector.shape_cast %swap3A_22 : vector<1x1x64xf32> to vector<1x64xf32>
    %swap3A_24 = vector.shape_cast %add3A : vector<1x64xf32> to vector<1x1x64xf32>
    tpu.vector_store %arg5[%swap3A_19, %swap3A_20, %swap3A_21], %swap3A_24 {strides = array<i32>} : memref<1x1x64xf32, #tpu.memory_space<vmem>>, vector<1x1x64xf32>,
    return
  }
  func.func @transform_0(%arg0: i32) -> (i32, i32, i32) {
    %c0_i32 = arith.constant 0 : i32
    %c0_i32_0 = arith.constant 0 : i32
    %c0_i32_1 = arith.constant 0 : i32
    return %arg0, %c0_i32, %c0_i32_0 : i32, i32, i32
  }
  func.func @transform_1(%arg0: i32) -> (i32, i32) {
    %c0_i32 = arith.constant 0 : i32
    %c0_i32_0 = arith.constant 0 : i32
    %c0_i32_1 = arith.constant 0 : i32
    return %c0_i32, %c0_i32_0 : i32, i32
  }
  func.func @transform_2(%arg0: i32) -> (i32, i32) {
    %c0_i32 = arith.constant 0 : i32
    %c0_i32_0 = arith.constant 0 : i32
    %c0_i32_1 = arith.constant 0 : i32
    return %c0_i32, %c0_i32_0 : i32, i32
  }
  func.func @transform_3(%arg0: i32) -> (i32, i32, i32) {
    %c0_i32 = arith.constant 0 : i32
    %c0_i32_0 = arith.constant 0 : i32
    %c0_i32_1 = arith.constant 0 : i32
    return %arg0, %c0_i32, %c0_i32_0 : i32, i32, i32
  }
  func.func @transform_4(%arg0: i32) -> (i32, i32, i32) {
    %c0_i32 = arith.constant 0 : i32
    %c0_i32_0 = arith.constant 0 : i32
    %c0_i32_1 = arith.constant 0 : i32
    return %arg0, %c0_i32, %c0_i32_0 : i32, i32, i32
  }
}

module attributes {stable_mosaic.version = 14 : i64} {
  func.func @_route_body(%arg0: memref<16x64xf32, #tpu.memory_space<vmem>>, %arg1: memref<16x2xi32, #tpu.memory_space<vmem>>, %arg2: memref<16x2xf32, #tpu.memory_space<vmem>>, %arg3: memref<1x1xf32, #tpu.memory_space<vmem>>, %arg4: memref<1x1xf32, #tpu.memory_space<vmem>>) attributes {dimension_semantics = [], scalar_prefetch = 0 : i64, scratch_operands = 0 : i64, tpu.core_type = #tpu.core_type<tc>} {
    %get3A = arith.constant 0 : index
    %get3A_0 = arith.constant 0 : index
    %get3A_1 = vector.load %arg0[%get3A, %get3A_0] : memref<16x64xf32, #tpu.memory_space<vmem>>, vector<16x64xf32>
    %iota3A = tpu.iota {dimensions = array<i32: 1>} : vector<16x64xi32>
    %reduce_max3A = arith.constant dense<0xFF800000> : vector<16xf32>
    %reduce_max3A_2 = vector.multi_reduction <maximumf>, %get3A_1, %reduce_max3A [1] : vector<16x64xf32> to vector<16xf32>
    %broadcast_in_dim3A = vector.shape_cast %reduce_max3A_2 : vector<16xf32> to vector<16x1xf32>
    %eq3A = vector.broadcast %broadcast_in_dim3A : vector<16x1xf32> to vector<16x64xf32>
    %eq3A_3 = arith.cmpf oeq, %get3A_1, %eq3A : vector<16x64xf32>
    %jit3A = arith.constant 64 : i32
    %broadcast_in_dim3A_4 = vector.broadcast %jit3A : i32 to vector<16x64xi32>
    %select_n3A = arith.select %eq3A_3, %iota3A, %broadcast_in_dim3A_4 : vector<16x64xi1>, vector<16x64xi32>
    %reduce_min3A = arith.constant dense<2147483647> : vector<16xi32>
    %reduce_min3A_5 = vector.multi_reduction <minsi>, %select_n3A, %reduce_min3A [1] : vector<16x64xi32> to vector<16xi32>
    %broadcast_in_dim3A_6 = vector.shape_cast %reduce_min3A_5 : vector<16xi32> to vector<16x1xi32>
    %eq3A_7 = vector.broadcast %broadcast_in_dim3A_6 : vector<16x1xi32> to vector<16x64xi32>
    %eq3A_8 = arith.cmpi eq, %iota3A, %eq3A_7 : vector<16x64xi32>
    %jit3A_9 = arith.constant 0xFF800000 : f32
    %broadcast_in_dim3A_10 = vector.broadcast %jit3A_9 : f32 to vector<16x64xf32>
    %select_n3A_11 = arith.select %eq3A_8, %broadcast_in_dim3A_10, %get3A_1 : vector<16x64xi1>, vector<16x64xf32>
    %reduce_max3A_12 = arith.constant dense<0xFF800000> : vector<16xf32>
    %reduce_max3A_13 = vector.multi_reduction <maximumf>, %select_n3A_11, %reduce_max3A_12 [1] : vector<16x64xf32> to vector<16xf32>
    %broadcast_in_dim3A_14 = vector.shape_cast %reduce_max3A_13 : vector<16xf32> to vector<16x1xf32>
    %eq3A_15 = vector.broadcast %broadcast_in_dim3A_14 : vector<16x1xf32> to vector<16x64xf32>
    %eq3A_16 = arith.cmpf oeq, %select_n3A_11, %eq3A_15 : vector<16x64xf32>
    %jit3A_17 = arith.constant 64 : i32
    %broadcast_in_dim3A_18 = vector.broadcast %jit3A_17 : i32 to vector<16x64xi32>
    %select_n3A_19 = arith.select %eq3A_16, %iota3A, %broadcast_in_dim3A_18 : vector<16x64xi1>, vector<16x64xi32>
    %reduce_min3A_20 = arith.constant dense<2147483647> : vector<16xi32>
    %reduce_min3A_21 = vector.multi_reduction <minsi>, %select_n3A_19, %reduce_min3A_20 [1] : vector<16x64xi32> to vector<16xi32>
    %broadcast_in_dim3A_22 = vector.shape_cast %reduce_min3A_21 : vector<16xi32> to vector<16x1xi32>
    %concatenate3A = tpu.concatenate %broadcast_in_dim3A_6, %broadcast_in_dim3A_22 in 1 : vector<16x1xi32>, vector<16x1xi32> -> vector<16x2xi32>
    %swap3A = arith.constant 0 : index
    %swap3A_23 = arith.constant 0 : index
    %swap3A_24 = vector.load %arg1[%swap3A, %swap3A_23] : memref<16x2xi32, #tpu.memory_space<vmem>>, vector<16x2xi32>
    tpu.vector_store %arg1[%swap3A, %swap3A_23], %concatenate3A {strides = array<i32>} : memref<16x2xi32, #tpu.memory_space<vmem>>, vector<16x2xi32>,
    %sub3A = arith.subf %broadcast_in_dim3A_14, %broadcast_in_dim3A : vector<16x1xf32>
    %exp3A = math.exp %sub3A : vector<16x1xf32>
    %add3A = arith.constant 1.000000e+00 : f32
    %add3A_25 = vector.broadcast %add3A : f32 to vector<16x1xf32>
    %add3A_26 = arith.addf %add3A_25, %exp3A : vector<16x1xf32>
    %div3A = arith.constant 1.000000e+00 : f32
    %div3A_27 = vector.broadcast %div3A : f32 to vector<16x1xf32>
    %div3A_28 = arith.divf %div3A_27, %add3A_26 : vector<16x1xf32>
    %mul3A = arith.mulf %exp3A, %div3A_28 : vector<16x1xf32>
    %concatenate3A_29 = tpu.concatenate %div3A_28, %mul3A in 1 : vector<16x1xf32>, vector<16x1xf32> -> vector<16x2xf32>
    %swap3A_30 = arith.constant 0 : index
    %swap3A_31 = arith.constant 0 : index
    %swap3A_32 = vector.load %arg2[%swap3A_30, %swap3A_31] : memref<16x2xf32, #tpu.memory_space<vmem>>, vector<16x2xf32>
    tpu.vector_store %arg2[%swap3A_30, %swap3A_31], %concatenate3A_29 {strides = array<i32>} : memref<16x2xf32, #tpu.memory_space<vmem>>, vector<16x2xf32>,
    %sub3A_33 = vector.broadcast %broadcast_in_dim3A : vector<16x1xf32> to vector<16x64xf32>
    %sub3A_34 = arith.subf %get3A_1, %sub3A_33 : vector<16x64xf32>
    %exp3A_35 = math.exp %sub3A_34 : vector<16x64xf32>
    %reduce_sum3A = arith.constant dense<0.000000e+00> : vector<16xf32>
    %reduce_sum3A_36 = vector.multi_reduction <add>, %exp3A_35, %reduce_sum3A [1] : vector<16x64xf32> to vector<16xf32>
    %broadcast_in_dim3A_37 = vector.shape_cast %reduce_sum3A_36 : vector<16xf32> to vector<16x1xf32>
    %div3A_38 = vector.broadcast %broadcast_in_dim3A_37 : vector<16x1xf32> to vector<16x64xf32>
    %div3A_39 = arith.divf %exp3A_35, %div3A_38 : vector<16x64xf32>
    %jit3A_40 = arith.constant 9.99999993E-9 : f32
    %max3A = vector.broadcast %jit3A_40 : f32 to vector<16x64xf32>
    %max3A_41 = arith.maximumf %max3A, %div3A_39 : vector<16x64xf32>
    %log3A = math.log %max3A_41 : vector<16x64xf32>
    %mul3A_42 = arith.mulf %div3A_39, %log3A : vector<16x64xf32>
    %reduce_sum3A_43 = arith.constant dense<0.000000e+00> : vector<16xf32>
    %reduce_sum3A_44 = vector.multi_reduction <add>, %mul3A_42, %reduce_sum3A_43 [1] : vector<16x64xf32> to vector<16xf32>
    %broadcast_in_dim3A_45 = vector.shape_cast %reduce_sum3A_44 : vector<16xf32> to vector<16x1xf32>
    %reduce_sum3A_46 = arith.constant dense<0.000000e+00> : vector<1xf32>
    %reduce_sum3A_47 = vector.multi_reduction <add>, %broadcast_in_dim3A_45, %reduce_sum3A_46 [0] : vector<16x1xf32> to vector<1xf32>
    %broadcast_in_dim3A_48 = vector.shape_cast %reduce_sum3A_47 : vector<1xf32> to vector<1x1xf32>
    %neg3A = arith.constant 0.000000e+00 : f32
    %neg3A_49 = vector.broadcast %neg3A : f32 to vector<1x1xf32>
    %neg3A_50 = arith.subf %neg3A_49, %broadcast_in_dim3A_48 : vector<1x1xf32>
    %div3A_51 = arith.constant 1.600000e+01 : f32
    %div3A_52 = vector.broadcast %div3A_51 : f32 to vector<1x1xf32>
    %div3A_53 = arith.divf %neg3A_50, %div3A_52 : vector<1x1xf32>
    %swap3A_54 = arith.constant 0 : index
    %swap3A_55 = arith.constant 0 : index
    %swap3A_56 = vector.load %arg3[%swap3A_54, %swap3A_55] : memref<1x1xf32, #tpu.memory_space<vmem>>, vector<1x1xf32>
    tpu.vector_store %arg3[%swap3A_54, %swap3A_55], %div3A_53 {strides = array<i32>} : memref<1x1xf32, #tpu.memory_space<vmem>>, vector<1x1xf32>,
    %reduce_sum3A_57 = arith.constant dense<0.000000e+00> : vector<64xf32>
    %reduce_sum3A_58 = vector.multi_reduction <add>, %div3A_39, %reduce_sum3A_57 [0] : vector<16x64xf32> to vector<64xf32>
    %broadcast_in_dim3A_59 = vector.shape_cast %reduce_sum3A_58 : vector<64xf32> to vector<1x64xf32>
    %div3A_60 = arith.constant 1.600000e+01 : f32
    %div3A_61 = vector.broadcast %div3A_60 : f32 to vector<1x64xf32>
    %div3A_62 = arith.divf %broadcast_in_dim3A_59, %div3A_61 : vector<1x64xf32>
    %sub3A_63 = arith.constant 1.562500e-02 : f32
    %sub3A_64 = vector.broadcast %sub3A_63 : f32 to vector<1x64xf32>
    %sub3A_65 = arith.subf %div3A_62, %sub3A_64 : vector<1x64xf32>
    %integer_pow3A = arith.mulf %sub3A_65, %sub3A_65 : vector<1x64xf32>
    %reduce_sum3A_66 = arith.constant dense<0.000000e+00> : vector<1xf32>
    %reduce_sum3A_67 = vector.multi_reduction <add>, %integer_pow3A, %reduce_sum3A_66 [1] : vector<1x64xf32> to vector<1xf32>
    %broadcast_in_dim3A_68 = vector.shape_cast %reduce_sum3A_67 : vector<1xf32> to vector<1x1xf32>
    %div3A_69 = arith.constant 6.400000e+01 : f32
    %div3A_70 = vector.broadcast %div3A_69 : f32 to vector<1x1xf32>
    %div3A_71 = arith.divf %broadcast_in_dim3A_68, %div3A_70 : vector<1x1xf32>
    %swap3A_72 = arith.constant 0 : index
    %swap3A_73 = arith.constant 0 : index
    %swap3A_74 = vector.load %arg4[%swap3A_72, %swap3A_73] : memref<1x1xf32, #tpu.memory_space<vmem>>, vector<1x1xf32>
    tpu.vector_store %arg4[%swap3A_72, %swap3A_73], %div3A_71 {strides = array<i32>} : memref<1x1xf32, #tpu.memory_space<vmem>>, vector<1x1xf32>,
    return
  }
}

module attributes {stable_mosaic.version = 14 : i64} {
  func.func @_moe_body(%arg0: i32, %arg1: memref<32xi32, #tpu.memory_space<smem>>, %arg2: memref<32xf32, #tpu.memory_space<smem>>, %arg3: memref<1x1x256xf32, #tpu.memory_space<vmem>>, %arg4: memref<1x512x256xf32, #tpu.memory_space<vmem>>, %arg5: memref<1x1x512xf32, #tpu.memory_space<vmem>>, %arg6: memref<1x256x512xf32, #tpu.memory_space<vmem>>, %arg7: memref<1x1x256xf32, #tpu.memory_space<vmem>>, %arg8: memref<1x1x256xf32, #tpu.memory_space<vmem>>) attributes {dimension_semantics = [#tpu.dimension_semantics<arbitrary>], iteration_bounds = array<i64: 32>, scalar_prefetch = 2 : i64, scratch_operands = 0 : i64, tpu.core_type = #tpu.core_type<tc>, window_params = [{transform_indices = @transform_0, window_bounds = array<i64: 1, 1, 256>}, {transform_indices = @transform_1, window_bounds = array<i64: 1, 512, 256>}, {transform_indices = @transform_2, window_bounds = array<i64: 1, 1, 512>}, {transform_indices = @transform_3, window_bounds = array<i64: 1, 256, 512>}, {transform_indices = @transform_4, window_bounds = array<i64: 1, 1, 256>}, {transform_indices = @transform_5, window_bounds = array<i64: 1, 1, 256>}]} {
    %get3A = arith.constant 0 : index
    %get3A_0 = arith.constant 0 : index
    %get3A_1 = arith.constant 0 : index
    %get3A_2 = vector.load %arg3[%get3A, %get3A_0, %get3A_1] : memref<1x1x256xf32, #tpu.memory_space<vmem>>, vector<1x1x256xf32>
    %get3A_3 = vector.shape_cast %get3A_2 : vector<1x1x256xf32> to vector<1x256xf32>
    %get3A_4 = arith.constant 0 : index
    %get3A_5 = arith.constant 0 : index
    %get3A_6 = arith.constant 0 : index
    %get3A_7 = vector.load %arg4[%get3A_4, %get3A_5, %get3A_6] : memref<1x512x256xf32, #tpu.memory_space<vmem>>, vector<1x512x256xf32>
    %get3A_8 = vector.shape_cast %get3A_7 : vector<1x512x256xf32> to vector<512x256xf32>
    %dot_general3A = arith.constant dense<0.000000e+00> : vector<1x512xf32>
    %dot_general3A_9 = tpu.matmul %get3A_3, %get3A_8, %dot_general3A {dimension_numbers = #tpu.dot_dimension_numbers<[1], [1], [0], [0], [0, 0, 1, 0], [], []>, transpose_lhs_hint = false} : vector<1x256xf32>, vector<512x256xf32>, vector<1x512xf32> -> vector<1x512xf32>
    %get3A_10 = arith.constant 0 : index
    %get3A_11 = arith.constant 0 : index
    %get3A_12 = arith.constant 0 : index
    %get3A_13 = vector.load %arg5[%get3A_10, %get3A_11, %get3A_12] : memref<1x1x512xf32, #tpu.memory_space<vmem>>, vector<1x1x512xf32>
    %get3A_14 = vector.shape_cast %get3A_13 : vector<1x1x512xf32> to vector<1x512xf32>
    %add3A = arith.addf %dot_general3A_9, %get3A_14 : vector<1x512xf32>
    %max3A = arith.constant 0.000000e+00 : f32
    %max3A_15 = vector.broadcast %max3A : f32 to vector<1x512xf32>
    %max3A_16 = arith.maximumf %add3A, %max3A_15 : vector<1x512xf32>
    %get3A_17 = arith.constant 0 : index
    %get3A_18 = arith.constant 0 : index
    %get3A_19 = arith.constant 0 : index
    %get3A_20 = vector.load %arg6[%get3A_17, %get3A_18, %get3A_19] : memref<1x256x512xf32, #tpu.memory_space<vmem>>, vector<1x256x512xf32>
    %get3A_21 = vector.shape_cast %get3A_20 : vector<1x256x512xf32> to vector<256x512xf32>
    %dot_general3A_22 = arith.constant dense<0.000000e+00> : vector<1x256xf32>
    %dot_general3A_23 = tpu.matmul %max3A_16, %get3A_21, %dot_general3A_22 {dimension_numbers = #tpu.dot_dimension_numbers<[1], [1], [0], [0], [0, 0, 1, 0], [], []>, transpose_lhs_hint = false} : vector<1x512xf32>, vector<256x512xf32>, vector<1x256xf32> -> vector<1x256xf32>
    %get3A_24 = arith.constant 0 : index
    %get3A_25 = arith.constant 0 : index
    %get3A_26 = arith.constant 0 : index
    %get3A_27 = vector.load %arg7[%get3A_24, %get3A_25, %get3A_26] : memref<1x1x256xf32, #tpu.memory_space<vmem>>, vector<1x1x256xf32>
    %get3A_28 = vector.shape_cast %get3A_27 : vector<1x1x256xf32> to vector<1x256xf32>
    %add3A_29 = arith.addf %dot_general3A_23, %get3A_28 : vector<1x256xf32>
    %get3A_30 = arith.index_cast %arg0 : i32 to index
    %get3A_31 = memref.load %arg2[%get3A_30] : memref<32xf32, #tpu.memory_space<smem>>
    %mul3A = vector.broadcast %get3A_31 : f32 to vector<1x256xf32>
    %mul3A_32 = arith.mulf %add3A_29, %mul3A : vector<1x256xf32>
    %jit3A = arith.constant 2 : i32
    %eq3A = arith.constant 0 : i32
    %eq3A_33 = arith.cmpi eq, %jit3A, %eq3A : i32
    %jit3A_34 = arith.constant 1 : i32
    %select_n3A = arith.select %eq3A_33, %jit3A_34, %jit3A : i32
    %rem3A = arith.remsi %arg0, %select_n3A : i32
    %ne3A = arith.constant 0 : i32
    %ne3A_35 = arith.cmpi ne, %rem3A, %ne3A : i32
    %lt3A = arith.constant 0 : i32
    %lt3A_36 = arith.cmpi slt, %rem3A, %lt3A : i32
    %lt3A_37 = arith.constant 0 : i32
    %lt3A_38 = arith.cmpi slt, %select_n3A, %lt3A_37 : i32
    %ne3A_39 = arith.xori %lt3A_36, %lt3A_38 : i1
    %and3A = arith.andi %ne3A_39, %ne3A_35 : i1
    %add3A_40 = arith.addi %rem3A, %select_n3A : i32
    %select_n3A_41 = arith.select %and3A, %add3A_40, %rem3A : i32
    %eq3A_42 = arith.constant 0 : i32
    %eq3A_43 = arith.cmpi eq, %select_n3A_41, %eq3A_42 : i32
    %convert_element_type3A = arith.extui %eq3A_43 : i1 to i32
    %cond3A = arith.constant 0 : i32
    %cond3A_44 = arith.cmpi ne, %convert_element_type3A, %cond3A : i32
    scf.if %cond3A_44 {
      %swap3A = arith.constant 0 : index
      %swap3A_66 = arith.constant 0 : index
      %swap3A_67 = arith.constant 0 : index
      %swap3A_68 = vector.load %arg8[%swap3A, %swap3A_66, %swap3A_67] : memref<1x1x256xf32, #tpu.memory_space<vmem>>, vector<1x1x256xf32>
      %swap3A_69 = vector.shape_cast %swap3A_68 : vector<1x1x256xf32> to vector<1x256xf32>
      %swap3A_70 = vector.shape_cast %mul3A_32 : vector<1x256xf32> to vector<1x1x256xf32>
      tpu.vector_store %arg8[%swap3A, %swap3A_66, %swap3A_67], %swap3A_70 {strides = array<i32>} : memref<1x1x256xf32, #tpu.memory_space<vmem>>, vector<1x1x256xf32>,
    } else {
    }
    %jit3A_45 = arith.constant 2 : i32
    %eq3A_46 = arith.constant 0 : i32
    %eq3A_47 = arith.cmpi eq, %jit3A_45, %eq3A_46 : i32
    %jit3A_48 = arith.constant 1 : i32
    %select_n3A_49 = arith.select %eq3A_47, %jit3A_48, %jit3A_45 : i32
    %rem3A_50 = arith.remsi %arg0, %select_n3A_49 : i32
    %ne3A_51 = arith.constant 0 : i32
    %ne3A_52 = arith.cmpi ne, %rem3A_50, %ne3A_51 : i32
    %lt3A_53 = arith.constant 0 : i32
    %lt3A_54 = arith.cmpi slt, %rem3A_50, %lt3A_53 : i32
    %lt3A_55 = arith.constant 0 : i32
    %lt3A_56 = arith.cmpi slt, %select_n3A_49, %lt3A_55 : i32
    %ne3A_57 = arith.xori %lt3A_54, %lt3A_56 : i1
    %and3A_58 = arith.andi %ne3A_57, %ne3A_52 : i1
    %add3A_59 = arith.addi %rem3A_50, %select_n3A_49 : i32
    %select_n3A_60 = arith.select %and3A_58, %add3A_59, %rem3A_50 : i32
    %eq3A_61 = arith.constant 1 : i32
    %eq3A_62 = arith.cmpi eq, %select_n3A_60, %eq3A_61 : i32
    %convert_element_type3A_63 = arith.extui %eq3A_62 : i1 to i32
    %cond3A_64 = arith.constant 0 : i32
    %cond3A_65 = arith.cmpi ne, %convert_element_type3A_63, %cond3A_64 : i32
    scf.if %cond3A_65 {
      %get3A_66 = arith.constant 0 : index
      %get3A_67 = arith.constant 0 : index
      %get3A_68 = arith.constant 0 : index
      %get3A_69 = vector.load %arg8[%get3A_66, %get3A_67, %get3A_68] : memref<1x1x256xf32, #tpu.memory_space<vmem>>, vector<1x1x256xf32>
      %get3A_70 = vector.shape_cast %get3A_69 : vector<1x1x256xf32> to vector<1x256xf32>
      %add3A_71 = arith.addf %get3A_70, %mul3A_32 : vector<1x256xf32>
      %swap3A = arith.constant 0 : index
      %swap3A_72 = arith.constant 0 : index
      %swap3A_73 = arith.constant 0 : index
      %swap3A_74 = vector.load %arg8[%swap3A, %swap3A_72, %swap3A_73] : memref<1x1x256xf32, #tpu.memory_space<vmem>>, vector<1x1x256xf32>
      %swap3A_75 = vector.shape_cast %swap3A_74 : vector<1x1x256xf32> to vector<1x256xf32>
      %swap3A_76 = vector.shape_cast %add3A_71 : vector<1x256xf32> to vector<1x1x256xf32>
      tpu.vector_store %arg8[%swap3A, %swap3A_72, %swap3A_73], %swap3A_76 {strides = array<i32>} : memref<1x1x256xf32, #tpu.memory_space<vmem>>, vector<1x1x256xf32>,
    } else {
    }
    return
  }
  func.func @transform_0(%arg0: i32, %arg1: memref<32xi32, #tpu.memory_space<smem>>, %arg2: memref<32xf32, #tpu.memory_space<smem>>) -> (i32, i32, i32) {
    %jit3A = arith.constant 2 : i32
    %div3A = arith.divsi %arg0, %jit3A : i32
    %sign3A = arith.constant 0 : i32
    %sign3A_0 = arith.cmpi sgt, %arg0, %sign3A : i32
    %sign3A_1 = arith.extui %sign3A_0 : i1 to i32
    %sign3A_2 = arith.constant 0 : i32
    %sign3A_3 = arith.cmpi slt, %arg0, %sign3A_2 : i32
    %sign3A_4 = arith.extui %sign3A_3 : i1 to i32
    %sign3A_5 = arith.subi %sign3A_1, %sign3A_4 : i32
    %sign3A_6 = arith.constant 0 : i32
    %sign3A_7 = arith.cmpi sgt, %jit3A, %sign3A_6 : i32
    %sign3A_8 = arith.extui %sign3A_7 : i1 to i32
    %sign3A_9 = arith.constant 0 : i32
    %sign3A_10 = arith.cmpi slt, %jit3A, %sign3A_9 : i32
    %sign3A_11 = arith.extui %sign3A_10 : i1 to i32
    %sign3A_12 = arith.subi %sign3A_8, %sign3A_11 : i32
    %ne3A = arith.cmpi ne, %sign3A_5, %sign3A_12 : i32
    %rem3A = arith.remsi %arg0, %jit3A : i32
    %ne3A_13 = arith.constant 0 : i32
    %ne3A_14 = arith.cmpi ne, %rem3A, %ne3A_13 : i32
    %and3A = arith.andi %ne3A, %ne3A_14 : i1
    %sub3A = arith.constant 1 : i32
    %sub3A_15 = arith.subi %div3A, %sub3A : i32
    %select_n3A = arith.select %and3A, %sub3A_15, %div3A : i32
    %c0_i32 = arith.constant 0 : i32
    %c0_i32_16 = arith.constant 0 : i32
    %c0_i32_17 = arith.constant 0 : i32
    return %select_n3A, %c0_i32, %c0_i32_16 : i32, i32, i32
  }
  func.func @transform_1(%arg0: i32, %arg1: memref<32xi32, #tpu.memory_space<smem>>, %arg2: memref<32xf32, #tpu.memory_space<smem>>) -> (i32, i32, i32) {
    %get3A = arith.index_cast %arg0 : i32 to index
    %get3A_0 = memref.load %arg1[%get3A] : memref<32xi32, #tpu.memory_space<smem>>
    %c0_i32 = arith.constant 0 : i32
    %c0_i32_1 = arith.constant 0 : i32
    %c0_i32_2 = arith.constant 0 : i32
    return %get3A_0, %c0_i32, %c0_i32_1 : i32, i32, i32
  }
  func.func @transform_2(%arg0: i32, %arg1: memref<32xi32, #tpu.memory_space<smem>>, %arg2: memref<32xf32, #tpu.memory_space<smem>>) -> (i32, i32, i32) {
    %get3A = arith.index_cast %arg0 : i32 to index
    %get3A_0 = memref.load %arg1[%get3A] : memref<32xi32, #tpu.memory_space<smem>>
    %c0_i32 = arith.constant 0 : i32
    %c0_i32_1 = arith.constant 0 : i32
    %c0_i32_2 = arith.constant 0 : i32
    return %get3A_0, %c0_i32, %c0_i32_1 : i32, i32, i32
  }
  func.func @transform_3(%arg0: i32, %arg1: memref<32xi32, #tpu.memory_space<smem>>, %arg2: memref<32xf32, #tpu.memory_space<smem>>) -> (i32, i32, i32) {
    %get3A = arith.index_cast %arg0 : i32 to index
    %get3A_0 = memref.load %arg1[%get3A] : memref<32xi32, #tpu.memory_space<smem>>
    %c0_i32 = arith.constant 0 : i32
    %c0_i32_1 = arith.constant 0 : i32
    %c0_i32_2 = arith.constant 0 : i32
    return %get3A_0, %c0_i32, %c0_i32_1 : i32, i32, i32
  }
  func.func @transform_4(%arg0: i32, %arg1: memref<32xi32, #tpu.memory_space<smem>>, %arg2: memref<32xf32, #tpu.memory_space<smem>>) -> (i32, i32, i32) {
    %get3A = arith.index_cast %arg0 : i32 to index
    %get3A_0 = memref.load %arg1[%get3A] : memref<32xi32, #tpu.memory_space<smem>>
    %c0_i32 = arith.constant 0 : i32
    %c0_i32_1 = arith.constant 0 : i32
    %c0_i32_2 = arith.constant 0 : i32
    return %get3A_0, %c0_i32, %c0_i32_1 : i32, i32, i32
  }
  func.func @transform_5(%arg0: i32, %arg1: memref<32xi32, #tpu.memory_space<smem>>, %arg2: memref<32xf32, #tpu.memory_space<smem>>) -> (i32, i32, i32) {
    %jit3A = arith.constant 2 : i32
    %div3A = arith.divsi %arg0, %jit3A : i32
    %sign3A = arith.constant 0 : i32
    %sign3A_0 = arith.cmpi sgt, %arg0, %sign3A : i32
    %sign3A_1 = arith.extui %sign3A_0 : i1 to i32
    %sign3A_2 = arith.constant 0 : i32
    %sign3A_3 = arith.cmpi slt, %arg0, %sign3A_2 : i32
    %sign3A_4 = arith.extui %sign3A_3 : i1 to i32
    %sign3A_5 = arith.subi %sign3A_1, %sign3A_4 : i32
    %sign3A_6 = arith.constant 0 : i32
    %sign3A_7 = arith.cmpi sgt, %jit3A, %sign3A_6 : i32
    %sign3A_8 = arith.extui %sign3A_7 : i1 to i32
    %sign3A_9 = arith.constant 0 : i32
    %sign3A_10 = arith.cmpi slt, %jit3A, %sign3A_9 : i32
    %sign3A_11 = arith.extui %sign3A_10 : i1 to i32
    %sign3A_12 = arith.subi %sign3A_8, %sign3A_11 : i32
    %ne3A = arith.cmpi ne, %sign3A_5, %sign3A_12 : i32
    %rem3A = arith.remsi %arg0, %jit3A : i32
    %ne3A_13 = arith.constant 0 : i32
    %ne3A_14 = arith.cmpi ne, %rem3A, %ne3A_13 : i32
    %and3A = arith.andi %ne3A, %ne3A_14 : i1
    %sub3A = arith.constant 1 : i32
    %sub3A_15 = arith.subi %div3A, %sub3A : i32
    %select_n3A = arith.select %and3A, %sub3A_15, %div3A : i32
    %c0_i32 = arith.constant 0 : i32
    %c0_i32_16 = arith.constant 0 : i32
    %c0_i32_17 = arith.constant 0 : i32
    return %select_n3A, %c0_i32, %c0_i32_16 : i32, i32, i32
  }
}

module attributes {stable_mosaic.version = 14 : i64} {
  func.func @_head_body(%arg0: memref<16x256xf32, #tpu.memory_space<vmem>>, %arg1: memref<1000x256xf32, #tpu.memory_space<vmem>>, %arg2: memref<1x1000xf32, #tpu.memory_space<vmem>>, %arg3: memref<16x1000xf32, #tpu.memory_space<vmem>>) attributes {dimension_semantics = [], scalar_prefetch = 0 : i64, scratch_operands = 0 : i64, tpu.core_type = #tpu.core_type<tc>} {
    %get3A = arith.constant 0 : index
    %get3A_0 = arith.constant 0 : index
    %get3A_1 = vector.load %arg0[%get3A, %get3A_0] : memref<16x256xf32, #tpu.memory_space<vmem>>, vector<16x256xf32>
    %get3A_2 = arith.constant 0 : index
    %get3A_3 = arith.constant 0 : index
    %get3A_4 = vector.load %arg1[%get3A_2, %get3A_3] : memref<1000x256xf32, #tpu.memory_space<vmem>>, vector<1000x256xf32>
    %dot_general3A = arith.constant dense<0.000000e+00> : vector<16x1000xf32>
    %dot_general3A_5 = tpu.matmul %get3A_1, %get3A_4, %dot_general3A {dimension_numbers = #tpu.dot_dimension_numbers<[1], [1], [0], [0], [0, 0, 1, 0], [], []>, transpose_lhs_hint = false} : vector<16x256xf32>, vector<1000x256xf32>, vector<16x1000xf32> -> vector<16x1000xf32>
    %get3A_6 = arith.constant 0 : index
    %get3A_7 = arith.constant 0 : index
    %get3A_8 = vector.load %arg2[%get3A_6, %get3A_7] : memref<1x1000xf32, #tpu.memory_space<vmem>>, vector<1x1000xf32>
    %add3A = vector.broadcast %get3A_8 : vector<1x1000xf32> to vector<16x1000xf32>
    %add3A_9 = arith.addf %dot_general3A_5, %add3A : vector<16x1000xf32>
    %swap3A = arith.constant 0 : index
    %swap3A_10 = arith.constant 0 : index
    %swap3A_11 = vector.load %arg3[%swap3A, %swap3A_10] : memref<16x1000xf32, #tpu.memory_space<vmem>>, vector<16x1000xf32>
    tpu.vector_store %arg3[%swap3A, %swap3A_10], %add3A_9 {strides = array<i32>} : memref<16x1000xf32, #tpu.memory_space<vmem>>, vector<16x1000xf32>,
    return
  }
}

</mosaic_0001>

<sc_bundles>
// kernel: sparse-core-data-format-call.cloned.1.call-start
scs
called_computation_lowered:
.L_overlay_start_0:
0x0: {  	s1 =	sld [smem:$0x3FD9]  }
0x1: {  	s2 =	sld [smem:$0x3FFE];
	_ =	sdelay $0x1  }
0x2: {  	s3 =	srdreg.scid  }
0x3: {  	s0 =	sand.u32 $0x1, s3  }
0x4: {  	s17 =	sshll.u32 s0, $0xA;
	s1 =	sadd.s32 s2, s1  }
0x5: {  	s1 =	sadd.s32 s1, s17  }
0x6: {  	[smem:$0x3FAD] =	sst s1  }
0x7: {  	_ = 	snop  }
0x8: {  	(tm) =	ssettm $0x1  }
0x9: {  	s18 =	sld [smem:$0x3FFB];
	_ =	sdelay $0x3  }
0xa: {  	_ =	strace s18  }
0xb: {  	s1 =	sld [smem:$0x3FFC];
	_ =	sdelay $0x3  }
0xc: {  	_ =	strace s1  }
0xd: {  	s1 =	sld [smem:$0x3FFD];
	_ =	sdelay $0x3  }
0xe: {  	_ =	strace s1  }
0xf: {  	_ =	strace $0x8FFFFFFF  }
0x10: {  	s19 =	sld [smem:$0x3FDB];
	_ =	sdelay $0x1  }
0x11: {  	s20 =	simm.s32 $_scs_section_size  }
0x12: {  	s4 =	simm.s32 $_size__tile_overlayer_lowered;
	s5 =	simm.s32 $_tile_overlayer_lowered  }
0x13: {  	s23 =	simm.s32 $0x1BFF;
	s22 =	sshll.u32 s5, $0x1;
	s1 =	sadd.s32 s20, s19  }
0x14: {  	s6 =	simm.s32 $0x0;
	s21 =	sshll.u32 s4, $0x1;
	s4 =	sadd.s32 s22, s1  }
0x15: {  	[timem:s6], [sflag:s23] =	dma.local [hbm:s4], s21  }
0x16: {  	_ =	swait.ge [sflag:s23], s21  }
0x17: {  	s2 =	ssub.s32 $0x0, s21;
	[sflag:s23] =	ssyncset.done $0x0  }
0x18: {  	[sflag:s23] =	ssyncadd.s32 s2;
	_ =	sdelay $0x1  }
0x19: {  	s24 =	simm.s32 $0x1B8B  }
0x1a: {  	_ =	swait.ge [sflag:s24], $0x1  }
0x1b: {  	[sflag:s24] =	ssyncset.done $0x0  }
0x1c: {  	s26 =	simm.s32 $0x1B8E;
	s25 =	sld [smem:$0x3FFE];
	[sflag:s24] =	ssyncadd.s32 $0xFFFFFFFF  }
0x1d: {  	s27 =	simm.s32 $execute0_lowered;
	[smem:$0x3FD2] =	sst s26  }
0x1e: {  	s4 =	sshll.u32 s27, $0x1;
	_ =	strace $0x80000046;
	[dreg:$0x1] =	wrdreg $0xFFFFFFFF  }
0x1f: {  	s28 =	simm.s32 $_size_execute0_lowered;
	s1 =	sadd.s32 s1, s4;
	[dreg:$0x0] =	wrdreg $0x0  }
0x20: {  	s4 =	sshll.u32 s28, $0x1;
	[dreg:$0x2] =	wrdreg s1  }
0x21: {  	[dreg:$0x3] =	wrdreg s4  }
0x22: {  	[dreg:$0x4] =	wrdreg $0xC0  }
0x23: {  	_ =	task [dreg:s6], $0x5FFFF  }
0x24: {  	[dreg:$0x1] =	wrdreg $0xFFFFFFFF  }
0x25: {  	[dreg:$0x0] =	wrdreg $0x60  }
0x26: {  	[dreg:$0x2] =	wrdreg s25  }
0x27: {  	[dreg:$0x3] =	wrdreg $0x9  }
0x28: {  	_ =	task.clear_ibuf [dreg:s6], $0x4FFFF;
	_ =	strace $0x90000046  }
0x29: {  	s29 =	simm.s32 $0x9;
	_ =	strace $0x80000048  }
0x2a: {  	_ =	swait.ge [sflag:s29], $0x1  }
0x2b: {  	[sflag:s29] =	ssyncadd.s32 $0xFFFFFFFF  }
0x2c: {  	_ =	strace $0x90000048  }
0x2d: {  	_ =	sfence  }
0x2e: {  	s30 =	sld [smem:$0x0];
	_ =	sdelay $0x2  }
0x2f: {  	s31 =	sshll.u32 s3, $0xD;
	s3 =	sshrl.u32 s3, $0x2  }
0x30: {  	s2 =	sand.u32 $0x4000, s31;
	s1 =	sadd.s32 s3, s30  }
0x31: {  	s0 =	sor.u32 s2, s0;
	s1 =	sshll.u32 s1, $0x11  }
0x32: {  	s0 =	sor.u32 s1, s0  }
0x33: {  	s0 =	sadd.s32 $0x8F2B, s0  }
0x34: {  	[sflag:s0] =	ssyncadd.remote.s32 $0x1  }
0x35: {  	_ =	sfence.sel $0xFFFF  }
0x36: {  	[dreg:$0x0] =	wrdreg $0xFFFFFFFF;
	(pc) =	sbr.abs _section_cstart, $3  }
0x37: {  	[dreg:$0x1] =	wrdreg $0xFFFFFFFF  }
0x38: {  	_ =	task.clear_ibuf [dreg:s6], $0x2FFFF;
	_ =	strace $0x9FFFFFFF  }
0x39: {  	(tm) =	ssettm $0x7FFFFFFF  }
tec
execute0_lowered:
.L_overlay_start_1:
0x0: {  	(tag) =	ssettag $0x1  }
0x1: {  	s0 =	srdreg.scid  }
0x2: {  	s5 =	rddreg [dreg:$0x0];
	s0 =	sshll.u32 s0, $0x3  }
0x3: {  	s7 =	simm.s32 $0x2;
	s15 =	simm.s32 $0x0;
	s2 =	sand.u32 $0x8, s0  }
0x4: {  	s8 =	simm.s32 $0x800;
	s9 =	simm.s32 $0xC4000;
	s1 =	ssub.s32 $0x10, s2  }
0x5: {  	s10 =	simm.s32 $0x0;
	s0 =	stileid.u32;
	s3 =	sshrl.u32 s1, $0x3  }
0x6: {  	s4 =	ssub.s32 $0x47, s0;
	s1 =	sshrl.u32 s1, $0x4;
	s3 =	sand.u32 $0x1, s3  }
0x7: {  	s14 =	simm.s32 $0x0;
	s4 =	sshrl.u32 s4, $0x4;
	s3 =	sadd.s32 s1, s3  }
0x8: {  	s16 =	simm.s32 $0x0;
	s11 =	simm.s32 $0x0;
	s4 =	smul.u32 s3, s4  }
.Ltmp0:
0x9: {  	s12 =	stileid.u32;
	s13 =	simm.s32 $0x0;
	(pc) =	sbr.rel .LBB1_1-.Ltmp0, $4  }
0xa: {  	s22 =	simm.s32 $0x0;
	s31 =	sshll.u32 s2, $0x5;
	s1 =	rddreg [dreg:$0x1]  }
0xb: {  	_ =	strace $0x80000047;
	s3 =	simm.s32 $0x1;
	s4 =	smul.u32 $0x7, s4  }
0xc: {  	s6 =	sadd.s32 s31, s5;
	s5 =	sadd.s32 $0x18C000, s5;
	[sflag:s3] =	ssyncpa.u1 $0x0  }
0xd: {  	s6 =	sadd.s32 $0x4000, s6;
	[sflag:s7] =	ssyncpa.u1 $0x0;
	s7 =	sadd.s32 $0x1, s4  }
.LBB1_7:
0xe: {  	s17 =	sadd.s32 $0x8, s11  }
0xf: {  	s14 =	sadd.s32 $0x10, s12;
	s18 =	smov.u32 s12;
	p1 =	sgt.s32 s17, $0x37  }
0x10: {  	s18 =	smov.u32 @p1 s14  }
0x11: {  	s17 =	simm.s32 @p1 $0x0;
	p1 =	sgt.s32 s18, $0x37  }
0x12: {  	s18 =	smov.u32 @p1 s0;
	p1 =	sne.s32 s13, s7  }
.Ltmp1:
0x13: {  	p0 =	slt.u32 s13, $0x2;
	(pc) =	sbr.rel @!p1 .LBB1_8-.Ltmp1, $4  }
0x14: {  	s16 =	smov.u32 s12;
	s15 =	simm.s32 @!p0 $0x2  }
0x15: {  	s10 =	sadd.s32 $0x4000, s10;
	_ =	swait.ge @!p0 [sflag:s15], $0x4000;
	s14 =	smov.u32 s11  }
0x16: {  	[sflag:s15] =	ssyncset.done @!p0 $0x0;
	s11 =	smov.u32 s17;
	s13 =	sadd.s32 $0x1, s13  }
0x17: {  	[sflag:s15] =	ssyncadd.s32 @!p0 $0xFFFFC000;
	s15 =	smov.u32 s2;
	s12 =	smov.u32 s18  }
.LBB1_1:
0x18: {  	p0 =	sge.u32 s13, s4  }
0x19: {  	s18 =	smul.u32 @!p0 $0x7000, s12  }
0x1a: {  	s31 =	sadd.s32 $0xFFFFFFFF, s13;
	s17 =	sxor.u32 @!p0 $0xFFFFFFFF, s13;
	s19 =	sshll.u32 @!p0 s11, $0x9  }
0x1b: {  	s20 =	simm.s32 @!p0 $0x1000;
	s17 =	sshll.u32 @!p0 s17, $0xE;
	s18 =	sadd.s32 @!p0 s18, s6  }
0x1c: {  	s17 =	sand.u32 @!p0 $0x4000, s17;
	s18 =	sadd.s32 @!p0 s19, s18;
	s19 =	simm.s32 @!p0 $0x800  }
0x1d: {  	[tilespmem:s17], [sflag:$0x1] =	stream.strided.gather @!p0 [hbm4b:s18+s19], $0x4000, s20, s19, $0x38;
	[tilespmem:$0x10000] =	vst v63  }
0x1e: {  	p0 =	sge.u32 s31, s4  }
.Ltmp2:
0x1f: {  	_ = 	snop;
	(pc) =	sbr.rel @p0 .LBB1_7-.Ltmp2, $1  }
0x20: {  	_ =	sdelay $0x3  }
0x21: {  	s17 =	sshll.u32 s10, $0x2;
	_ =	swait.ge [sflag:s3], $0x4000;
	s31 =	sshll.u32 s13, $0xE  }
0x22: {  	p0 =	por $0x0, $0x0;
	s23 =	simm.s32 $0x0;
	s24 =	simm.s32 $0x0  }
0x23: {  	s17 =	sand.u32 $0x10000, s17;
	[sflag:s3] =	ssyncset.done $0x0;
	s20 =	sand.u32 $0x4000, s31  }
0x24: {  	s21 =	sshrl.u32 s17, $0x2;
	[sflag:s3] =	ssyncadd.s32 $0xFFFFC000;
	s17 =	sor.u32 $0x8000, s20  }
0x25: {  	s18 =	sor.u32 $0x40, s21;
	s19 =	sor.u32 $0x8410, s21;
	s21 =	sadd.s32 $0x8400, s21  }
.LBB1_3:
0x26: {  	v1 =	vld [tilespmem:s18+$0xFFFFFFD0]  }
0x27: {  	v2 =	vld [tilespmem:s18+$0x430]  }
0x28: {  	s25 =	sshll.u32 s24, $0xB;
	v4 =	vld [tilespmem:s18+$0xFFFFFFE0]  }
0x29: {  	v7 =	vld [tilespmem:s18+$0xFFFFFFF0];
	v0 =	vmov s25  }
0x2a: {  	v8 =	vld [tilespmem:s18+$0x0]  }
0x2b: {  	s31 =	sand.u32 $0x300, s22;
	v9 =	vld [tilespmem:s18+$0x10]  }
0x2c: {  	s26 =	sand.u32 $0x80, s22;
	v10 =	vld [tilespmem:s18+$0x20];
	s25 =	sadd.s32 s31, s20  }
0x2d: {  	v11 =	vld [tilespmem:s18+$0x30];
	s25 =	sadd.s32 s26, s25;
	s26 =	simm.s32 $0x1;
	[tilespmem:s19+$0x60] =	vst v2  }
0x2e: {  	s31 =	sshll.u32 s23, $0x2;
	s26 =	simm.s32 @!p0 $0x0;
	[tilespmem:s19+$0xFFFFFC00] =	vst v1;
	v3 =	vld.idx.msk [tilespmem:v0+s25+$0x400 ss:$0x1], $0xffff  }
0x2f: {  	v6 =	vld [tilespmem:s18+$0x3D0];
	s26 =	sshll.u32 s26, $0x9;
	[tilespmem:s19+$0xFFFFFC10] =	vst v4;
	s25 =	sand.u32 $0xFFFFFC00, s31  }
0x30: {  	v5 =	vld [tilespmem:s18+$0x3E0];
	[tilespmem:s19+$0xFFFFFC20] =	vst v7;
	s25 =	sor.u32 s26, s25  }
0x31: {  	[tilespmem:s19+$0xFFFFFC30] =	vst v8;
	v4 =	vld [tilespmem:s18+$0x400];
	s25 =	sshrl.u32 s25, $0x2  }
0x32: {  	[tilespmem:s19+$0xFFFFFC40] =	vst v9;
	v1 =	vld [tilespmem:s18+$0x410];
	s25 =	sadd.s32 s25, s21  }
0x33: {  	[tilespmem:s25+$0x0] =	vst v3;
	v3 =	vld [tilespmem:s18+$0x3F0]  }
0x34: {  	s29 =	simm.s32 $0x80;
	s28 =	simm.s32 $0x100;
	[tilespmem:s19+$0xFFFFFC50] =	vst v10;
	v2 =	vld [tilespmem:s18+$0x420]  }
0x35: {  	s27 =	smov.u32 s19;
	s30 =	sand.u32 $0x300, s29;
	v7 =	vld [tilespmem:s18+$0xFFFFFFC0];
	[tilespmem:s19+$0xFFFFFC60] =	vst v11;
	s26 =	sadd.s32 $0x80, s18  }
.LBB1_4:
0x36: {  	p1 =	sne.s32 s28, $0x380;
	v8 =	vld [tilespmem:s26+$0xFFFFFFD0];
	s29 =	sand.u32 $0x80, s29;
	s30 =	sadd.s32 s30, s20;
	[tilespmem:s27+$0x0] =	vst v6  }
0x37: {  	s30 =	sadd.s32 s29, s30;
	v6 =	vld [tilespmem:s26+$0x430];
	[tilespmem:s27+$0x10] =	vst v5;
	s29 =	smov.u32 s28  }
0x38: {  	v5 =	vld.idx.msk [tilespmem:v0+s30+$0x400 ss:$0x1], $0xffff;
	[tilespmem:s27+$0x20] =	vst v3  }
0x39: {  	v3 =	vld [tilespmem:s26+$0xFFFFFFE0];
	[tilespmem:s27+$0x30] =	vst v4  }
0x3a: {  	v4 =	vld [tilespmem:s26+$0xFFFFFFF0];
	[tilespmem:s27+$0xFFFFFBF0] =	vst v7  }
0x3b: {  	v7 =	vld [tilespmem:s26+$0x0];
	[tilespmem:s27+$0x40] =	vst v1  }
0x3c: {  	v1 =	vld [tilespmem:s26+$0x10];
	[tilespmem:s27+$0x50] =	vst v2;
	s27 =	sadd.s32 $0x800, s27  }
0x3d: {  	s25 =	sadd.s32 $0x800, s25;
	v2 =	vld [tilespmem:s26+$0x20];
	[tilespmem:s27+$0x60] =	vst v6  }
0x3e: {  	v9 =	vld [tilespmem:s26+$0x30];
	[tilespmem:s25+$0x0] =	vst v5  }
0x3f: {  	[tilespmem:s27+$0xFFFFFC00] =	vst v8;
	v6 =	vld [tilespmem:s26+$0x3D0]  }
0x40: {  	[tilespmem:s27+$0xFFFFFC10] =	vst v3;
	v5 =	vld [tilespmem:s26+$0x3E0]  }
.Ltmp3:
0x41: {  	[tilespmem:s27+$0xFFFFFC20] =	vst v4;
	v3 =	vld [tilespmem:s26+$0x3F0];
	(pc) =	sbr.rel @p1 .LBB1_4-.Ltmp3, $4  }
0x42: {  	[tilespmem:s27+$0xFFFFFC30] =	vst v7;
	v4 =	vld [tilespmem:s26+$0x400]  }
0x43: {  	[tilespmem:s27+$0xFFFFFC40] =	vst v1;
	v1 =	vld [tilespmem:s26+$0x410]  }
0x44: {  	[tilespmem:s27+$0xFFFFFC50] =	vst v2;
	v2 =	vld [tilespmem:s26+$0x420]  }
0x45: {  	s28 =	sadd.s32 $0x80, s28;
	s30 =	sand.u32 $0x300, s29;
	v7 =	vld [tilespmem:s26+$0xFFFFFFC0];
	[tilespmem:s27+$0xFFFFFC60] =	vst v9;
	s26 =	sadd.s32 $0x80, s26  }
0x46: {  	[tilespmem:s27+$0x0] =	vst v6  }
0x47: {  	[tilespmem:s27+$0x10] =	vst v5  }
0x48: {  	v49 =	vld [tilespmem:s26+$0x430];
	[tilespmem:s27+$0x20] =	vst v3  }
0x49: {  	v50 =	vld [tilespmem:s26+$0xFFFFFFD0];
	[tilespmem:s27+$0x30] =	vst v4  }
0x4a: {  	v51 =	vld [tilespmem:s26+$0xFFFFFFE0];
	[tilespmem:s27+$0x40] =	vst v1  }
0x4b: {  	v52 =	vld [tilespmem:s26+$0xFFFFFFF0];
	[tilespmem:s27+$0x50] =	vst v2  }
0x4c: {  	s31 =	sadd.s32 $0x800, s27;
	v53 =	vld [tilespmem:s26+$0x0];
	[tilespmem:s27+$0xFFFFFBF0] =	vst v7  }
0x4d: {  	v54 =	vld [tilespmem:s26+$0x10];
	[tilespmem:s31+$0x60] =	vst v49  }
0x4e: {  	v55 =	vld [tilespmem:s26+$0x20];
	[tilespmem:s31+$0xFFFFFC00] =	vst v50  }
0x4f: {  	v56 =	vld [tilespmem:s26+$0x30];
	[tilespmem:s31+$0xFFFFFC10] =	vst v51  }
0x50: {  	v57 =	vld [tilespmem:s26+$0x3D0];
	[tilespmem:s31+$0xFFFFFC20] =	vst v52  }
0x51: {  	v58 =	vld [tilespmem:s26+$0x3E0];
	[tilespmem:s31+$0xFFFFFC30] =	vst v53  }
0x52: {  	v59 =	vld [tilespmem:s26+$0x3F0];
	[tilespmem:s31+$0xFFFFFC40] =	vst v54  }
0x53: {  	v60 =	vld [tilespmem:s26+$0x400];
	[tilespmem:s31+$0xFFFFFC50] =	vst v55  }
0x54: {  	v61 =	vld [tilespmem:s26+$0xFFFFFFC0];
	[tilespmem:s31+$0xFFFFFC60] =	vst v56  }
0x55: {  	s28 =	sand.u32 $0x80, s29;
	s30 =	sadd.s32 s30, s20;
	v62 =	vld [tilespmem:s26+$0x410];
	[tilespmem:s31+$0x0] =	vst v57  }
0x56: {  	v63 =	vld [tilespmem:s26+$0x420];
	s24 =	sadd.s32 $0x1, s24;
	s28 =	sadd.s32 s28, s30;
	[tilespmem:s31+$0x10] =	vst v58  }
0x57: {  	p1 =	sne.s32 s24, $0x8;
	v0 =	vld.idx.msk [tilespmem:v0+s28+$0x400 ss:$0x1], $0xffff;
	[tilespmem:s31+$0x20] =	vst v59  }
.Ltmp4:
0x58: {  	[tilespmem:s31+$0x30] =	vst v60;
	(pc) =	sbr.rel @p1 .LBB1_3-.Ltmp4, $4  }
0x59: {  	[tilespmem:s31+$0xFFFFFBF0] =	vst v61  }
0x5a: {  	[tilespmem:s31+$0x40] =	vst v62  }
0x5b: {  	s25 =	sadd.s32 $0x800, s25;
	s18 =	sadd.s32 $0x800, s18;
	[tilespmem:s31+$0x50] =	vst v63  }
0x5c: {  	s23 =	sadd.s32 $0x80, s23;
	p0 =	por !p0, !p0;
	s19 =	sadd.s32 $0x80, s19;
	[tilespmem:s25+$0x0] =	vst v0  }
0x5d: {  	s18 =	sshll.u32 s14, $0x8;
	s19 =	sshll.u32 s14, $0x7  }
0x5e: {  	s18 =	sand.u32 $0xFFFFF800, s18;
	s19 =	sand.u32 $0x300, s19  }
0x5f: {  	s18 =	sor.u32 s19, s18  }
0x60: {  	s16 =	smul.u32 $0x700, s16;
	s18 =	sshrl.u32 s18, $0x8  }
0x61: {  	s29 =	smulhi.u32 $0x4924925, s18  }
0x62: {  	s15 =	smul.u32 $0x18800, s15  }
0x63: {  	s19 =	smul.u32 $0x38, s29  }
.Ltmp5:
0x64: {  	s30 =	sshll.u32 s14, $0x4;
	s16 =	sadd.s32 s5, s16;
	(pc) =	sbr.rel .LBB1_7-.Ltmp5, $4  }
0x65: {  	s14 =	sand.u32 $0x10, s30;
	s15 =	sadd.s32 s15, s16;
	s18 =	ssub.s32 s18, s19  }
0x66: {  	s14 =	sadd.s32 s14, s15;
	s31 =	sshll.u32 s18, $0x5  }
0x67: {  	s14 =	sadd.s32 s31, s14  }
0x68: {  	[hbm4b:s14+s8] =	stream.strided.scatter [tilespmem:s17], [sflag:$0x2], $0x4000, s9, s8, $0x38;
	[tilespmem:$0x10000] =	vst v63  }
.LBB1_8:
0x69: {  	_ =	sfence.sel $0x180000  }
0x6a: {  	s2 =	simm.s32 $0x1;
	[bflag:$0x0] =	sbarrier.arrive $0xFFFF  }
0x6b: {  	s31 =	simm.s32 $0x2;
	[sflag:s2] =	ssyncpa.u1 $0x1  }
0x6c: {  	[sflag:s31] =	ssyncpa.u1 $0x1  }
0x6d: {  	p0 =	sne.s32 s0, $0x0;
	_ =	strace $0x90000047  }
0x6e: {  	s0 =	sadd.s32 @!p0 $0x100000, s1;
	[bflag:$0x2] =	sbarrier.arrive $0xFFFF  }
0x6f: {  	[sflag:s0] =	ssyncadd.tile.s32 @!p0 $0x1;
	_ =	shalt  }
.Lfunc_end1:
_tile_overlayer_lowered:
.L_overlay_start_2:
0x70: {  	(tag) =	ssettag $0x2  }
0x71: {  	s0 =	rddreg [dreg:$0x0];
	s2 =	stileid.u32  }
0x72: {  	s1 =	rddreg [dreg:$0x1];
	p0 =	sne.s32 s2, $0x0  }
0x73: {  	s3 =	rddreg [dreg:$0x2];
	[bflag:$0x3] =	sbarrier.arrive $0xFFFF;
	s2 =	simm.s32 @!p0 $0x1C01  }
0x74: {  	[timem:s3], [sflag:s2] =	dma.local @!p0 [hbm:s0], s1  }
0x75: {  	s0 =	simm.s32 @!p0 $0x1  }
0x76: {  	_ =	swait.ge @!p0 [sflag:s0], s1  }
0x77: {  	s1 =	ssub.s32 @!p0 $0x0, s1;
	[sflag:s0] =	ssyncset.done @!p0 $0x0  }
0x78: {  	[sflag:s0] =	ssyncadd.s32 @!p0 s1  }
0x79: {  	[bflag:$0x3] =	sbarrier.arrive $0xFFFF  }
0x7a: {  	_ =	shalt  }

</sc_bundles>
